<compile_context>
chip_gen: v7x
topology: tpu7x:2x2x1
jax: 0.10.2.dev20260603
libtpu: 0.0.44.dev20260713+nightly
codegen_flags: <defaults>
</compile_context>

<pallas_src>
import functools

import jax
import jax.numpy as jnp
from jax import lax
from jax.experimental import pallas as pl
from jax.experimental.pallas import tpu as pltpu
from jax.experimental.pallas import tpu_sc as plsc

VOCAB = 51200
DIM = 2048
BATCH = 4
SEQ = 8192
TOKENS = BATCH * SEQ

NC = 2
NS = 16
NW = NC * NS
B_PER_W = TOKENS // NW
PHASE = 56
NPHASE = B_PER_W // PHASE
TAIL = B_PER_W - NPHASE * PHASE

_MESH = plsc.VectorSubcoreMesh(core_axis_name="c", subcore_axis_name="s")


@functools.partial(
    pl.kernel,
    out_type=jax.ShapeDtypeStruct((TOKENS, DIM), jnp.float32),
    mesh=_MESH,
    scratch_types=[
        pltpu.VMEM((B_PER_W,), jnp.int32),
        pltpu.VMEM((PHASE, DIM), jnp.float32),
        pltpu.SemaphoreType.DMA,
    ],
)
def _embed_sc(idx_hbm, table_hbm, out_hbm, idx_v, buf, gsem):
    wid = lax.axis_index("s") * NC + lax.axis_index("c")
    base = wid * B_PER_W
    pltpu.sync_copy(idx_hbm.at[wid], idx_v)

    def phase_body(i, carry):
        off = i * PHASE
        pltpu.async_copy(
            table_hbm.at[idx_v.at[pl.ds(off, PHASE)]], buf, gsem).wait()
        pltpu.sync_copy(buf, out_hbm.at[pl.ds(base + off, PHASE)])
        return carry

    lax.fori_loop(0, NPHASE, phase_body, 0)

    off = NPHASE * PHASE
    pltpu.async_copy(
        table_hbm.at[idx_v.at[pl.ds(off, TAIL)]],
        buf.at[pl.ds(0, TAIL)], gsem).wait()
    pltpu.sync_copy(
        buf.at[pl.ds(0, TAIL)], out_hbm.at[pl.ds(base + off, TAIL)])


def kernel(input_ids, table):
    idx = input_ids.reshape(NW, B_PER_W).astype(jnp.int32)
    out = _embed_sc(idx, table)
    return out.reshape(BATCH, SEQ, DIM)

# --- scband reference (transcript-rebuilt; emitter-appended) ---
"""Pipeline reference for scband-phi-embedding-46359876993324 (READ-ONLY COPY).

The authoritative reference and input builder live on the scoring server;
editing this copy changes nothing except your own understanding.
"""

import jax, jax.numpy as jnp
import numpy as np

VOCAB = 51200
DIM = 2048
PAD_IDX = 0
BATCH = 4
SEQ = 8192

def setup_inputs(seed: int = 0) -> dict:
    key = jax.random.key(seed)
    k1, k2 = jax.random.split(key)
    input_ids = jax.random.randint(k1, (BATCH, SEQ), 0, VOCAB, dtype=jnp.int64 if jax.config.jax_enable_x64 else jnp.int32)
    table = jax.random.normal(k2, (VOCAB, DIM), dtype=jnp.float32) * 0.02
    # padding_idx row is initialized to zeros in nn.Embedding
    table = table.at[PAD_IDX].set(0.0)
    return {"input_ids": input_ids, "table": table}

def reference(input_ids, table):
    # PhiEmbedding.forward: embed_tokens(input_ids) then dropout(p=0.0) == identity
    inputs_embeds = jnp.take(table, input_ids, axis=0)
    return inputs_embeds

if __name__ == "__main__":
    import jax
    _d = setup_inputs()
    print(jax.jit(kernel)(*tuple(_d.values())))

</pallas_src>

<mosaic_0001>
#map = affine_map<(d0, d1) -> (0, 0)>
module attributes {stable_mosaic.version = 14 : i64} {
  func.func @_embed_sc(%arg0: i32, %arg1: i32, %arg2: memref<32x1024xi32, #tpu.memory_space<hbm>>, %arg3: memref<51200x2048xf32, #tpu.memory_space<hbm>>, %arg4: memref<32768x2048xf32, #tpu.memory_space<hbm>>, %arg5: memref<1024xi32, #tpu.memory_space<vmem>>, %arg6: memref<56x2048xf32, #tpu.memory_space<vmem>>, %arg7: memref<!tpu.dma_semaphore, #tpu.memory_space<semaphore_mem>>) attributes {dimension_semantics = [#tpu.dimension_semantics<core_parallel>, #tpu.dimension_semantics<subcore_parallel>], iteration_bounds = array<i64: 2, 16>, scalar_prefetch = 0 : i64, scratch_operands = 3 : i64, tpu.core_type = #tpu.core_type<sc_vector_subcore>, window_params = [{transform_indices = #map}, {transform_indices = #map}, {transform_indices = #map}]} {
    %mul3A = arith.constant 2 : i32
    %mul3A_0 = arith.muli %arg1, %mul3A : i32
    %add3A = arith.addi %mul3A_0, %arg0 : i32
    %mul3A_1 = arith.constant 1024 : i32
    %mul3A_2 = arith.muli %add3A, %mul3A_1 : i32
    "tpu.region"() ({
      %run_scoped3A = tpu.sem_alloc : memref<!tpu.dma_semaphore, #tpu.memory_space<semaphore_mem>>
      %dma_start3A_24 = arith.constant 0 : i32
      %dma_start3A_25 = tpu.memref_slice %arg2[%add3A, %dma_start3A_24] : memref<32x1024xi32, #tpu.memory_space<hbm>> -> memref<1x1024xi32, #tpu.memory_space<hbm>>
      %dma_start3A_26 = tpu.memref_squeeze %dma_start3A_25 : memref<1x1024xi32, #tpu.memory_space<hbm>> -> memref<1024xi32, #tpu.memory_space<hbm>>
      %dma_start3A_27 = arith.constant 0 : i32
      %dma_start3A_28 = tpu.memref_slice %arg2[%add3A, %dma_start3A_27] : memref<32x1024xi32, #tpu.memory_space<hbm>> -> memref<1x1024xi32, #tpu.memory_space<hbm>>
      %dma_start3A_29 = tpu.memref_squeeze %dma_start3A_28 : memref<1x1024xi32, #tpu.memory_space<hbm>> -> memref<1024xi32, #tpu.memory_space<hbm>>
      tpu.enqueue_dma source(%dma_start3A_29 : memref<1024xi32, #tpu.memory_space<hbm>>) target(%arg5 : memref<1024xi32, #tpu.memory_space<vmem>>) target_semaphore(%run_scoped3A : memref<!tpu.dma_semaphore, #tpu.memory_space<semaphore_mem>>)
      %dma_wait3A_30 = arith.constant 0 : i32
      %dma_wait3A_31 = tpu.memref_slice %arg2[%add3A, %dma_wait3A_30] : memref<32x1024xi32, #tpu.memory_space<hbm>> -> memref<1x1024xi32, #tpu.memory_space<hbm>>
      %dma_wait3A_32 = tpu.memref_squeeze %dma_wait3A_31 : memref<1x1024xi32, #tpu.memory_space<hbm>> -> memref<1024xi32, #tpu.memory_space<hbm>>
      %dma_wait3A_33 = arith.constant 0 : i32
      %dma_wait3A_34 = tpu.memref_slice %arg2[%add3A, %dma_wait3A_33] : memref<32x1024xi32, #tpu.memory_space<hbm>> -> memref<1x1024xi32, #tpu.memory_space<hbm>>
      %dma_wait3A_35 = tpu.memref_squeeze %dma_wait3A_34 : memref<1x1024xi32, #tpu.memory_space<hbm>> -> memref<1024xi32, #tpu.memory_space<hbm>>
      tpu.wait_dma2 semaphore(%run_scoped3A : memref<!tpu.dma_semaphore, #tpu.memory_space<semaphore_mem>>) src(%dma_wait3A_35 : memref<1024xi32, #tpu.memory_space<hbm>>) dst(%arg5 : memref<1024xi32, #tpu.memory_space<vmem>>)
      tpu.yield
    }) : () -> ()
    %scan3A = arith.constant 0 : i32
    %scan3A_3 = arith.constant 0 : i32
    %scan3A_4 = arith.constant 18 : i32
    %scan3A_5 = arith.addi %scan3A_3, %scan3A_4 : i32
    %scan3A_6 = arith.constant 1 : i32
    scf.for %scan3A_24 = %scan3A_3 to %scan3A_5 step %scan3A_6  : i32 {
      %mul3A_25 = arith.constant 56 : i32
      %mul3A_26 = arith.muli %scan3A_24, %mul3A_25 : i32
      %dma_start3A_27 = tpu.memref_slice %arg5[%mul3A_26] : memref<1024xi32, #tpu.memory_space<vmem>> -> memref<56xi32, #tpu.memory_space<vmem>>
      %dma_start3A_28 = arith.constant 0 : i32
      %dma_start3A_29 = arith.constant 0 : i32
      %dma_start3A_30 = tpu.memref_slice %arg3[%dma_start3A_28, %dma_start3A_29] : memref<51200x2048xf32, #tpu.memory_space<hbm>> -> memref<51200x2048xf32, #tpu.memory_space<hbm>>
      tpu.enqueue_indirect_dma source(%dma_start3A_30 : memref<51200x2048xf32, #tpu.memory_space<hbm>>) target(%arg6 : memref<56x2048xf32, #tpu.memory_space<vmem>>) offsets(%dma_start3A_27 : memref<56xi32, #tpu.memory_space<vmem>>) semaphore(%arg7 : memref<!tpu.dma_semaphore, #tpu.memory_space<semaphore_mem>>)
      %dma_wait3A_31 = tpu.memref_slice %arg5[%mul3A_26] : memref<1024xi32, #tpu.memory_space<vmem>> -> memref<56xi32, #tpu.memory_space<vmem>>
      %dma_wait3A_32 = arith.constant 0 : i32
      %dma_wait3A_33 = arith.constant 0 : i32
      %dma_wait3A_34 = tpu.memref_slice %arg3[%dma_wait3A_32, %dma_wait3A_33] : memref<51200x2048xf32, #tpu.memory_space<hbm>> -> memref<51200x2048xf32, #tpu.memory_space<hbm>>
      tpu.wait_indirect_dma semaphore(%arg7 : memref<!tpu.dma_semaphore, #tpu.memory_space<semaphore_mem>>) src(%dma_wait3A_34 : memref<51200x2048xf32, #tpu.memory_space<hbm>>) dst(%arg6 : memref<56x2048xf32, #tpu.memory_space<vmem>>)
      %add3A_35 = arith.addi %mul3A_2, %mul3A_26 : i32
      "tpu.region"() ({
        %run_scoped3A = tpu.sem_alloc : memref<!tpu.dma_semaphore, #tpu.memory_space<semaphore_mem>>
        %dma_start3A_36 = arith.constant 0 : i32
        %dma_start3A_37 = tpu.memref_slice %arg4[%add3A_35, %dma_start3A_36] : memref<32768x2048xf32, #tpu.memory_space<hbm>> -> memref<56x2048xf32, #tpu.memory_space<hbm>>
        %dma_start3A_38 = arith.constant 0 : i32
        %dma_start3A_39 = tpu.memref_slice %arg4[%add3A_35, %dma_start3A_38] : memref<32768x2048xf32, #tpu.memory_space<hbm>> -> memref<56x2048xf32, #tpu.memory_space<hbm>>
        tpu.enqueue_dma source(%arg6 : memref<56x2048xf32, #tpu.memory_space<vmem>>) target(%dma_start3A_39 : memref<56x2048xf32, #tpu.memory_space<hbm>>) target_semaphore(%run_scoped3A : memref<!tpu.dma_semaphore, #tpu.memory_space<semaphore_mem>>)
        %dma_wait3A_40 = arith.constant 0 : i32
        %dma_wait3A_41 = tpu.memref_slice %arg4[%add3A_35, %dma_wait3A_40] : memref<32768x2048xf32, #tpu.memory_space<hbm>> -> memref<56x2048xf32, #tpu.memory_space<hbm>>
        %dma_wait3A_42 = arith.constant 0 : i32
        %dma_wait3A_43 = tpu.memref_slice %arg4[%add3A_35, %dma_wait3A_42] : memref<32768x2048xf32, #tpu.memory_space<hbm>> -> memref<56x2048xf32, #tpu.memory_space<hbm>>
        tpu.wait_dma2 semaphore(%run_scoped3A : memref<!tpu.dma_semaphore, #tpu.memory_space<semaphore_mem>>) src(%arg6 : memref<56x2048xf32, #tpu.memory_space<vmem>>) dst(%dma_wait3A_43 : memref<56x2048xf32, #tpu.memory_space<hbm>>)
        tpu.yield
      }) : () -> ()
    }
    %scan3A_7 = arith.constant 18 : i32
    %dma_start3A = arith.constant 0 : i32
    %dma_start3A_8 = arith.constant 0 : i32
    %dma_start3A_9 = tpu.memref_slice %arg6[%dma_start3A, %dma_start3A_8] : memref<56x2048xf32, #tpu.memory_space<vmem>> -> memref<16x2048xf32, #tpu.memory_space<vmem>>
    %dma_start3A_10 = arith.constant 1008 : i32
    %dma_start3A_11 = tpu.memref_slice %arg5[%dma_start3A_10] : memref<1024xi32, #tpu.memory_space<vmem>> -> memref<16xi32, #tpu.memory_space<vmem>>
    %dma_start3A_12 = arith.constant 0 : i32
    %dma_start3A_13 = arith.constant 0 : i32
    %dma_start3A_14 = tpu.memref_slice %arg3[%dma_start3A_12, %dma_start3A_13] : memref<51200x2048xf32, #tpu.memory_space<hbm>> -> memref<51200x2048xf32, #tpu.memory_space<hbm>>
    tpu.enqueue_indirect_dma source(%dma_start3A_14 : memref<51200x2048xf32, #tpu.memory_space<hbm>>) target(%dma_start3A_9 : memref<16x2048xf32, #tpu.memory_space<vmem>>) offsets(%dma_start3A_11 : memref<16xi32, #tpu.memory_space<vmem>>) semaphore(%arg7 : memref<!tpu.dma_semaphore, #tpu.memory_space<semaphore_mem>>)
    %dma_wait3A = arith.constant 0 : i32
    %dma_wait3A_15 = arith.constant 0 : i32
    %dma_wait3A_16 = tpu.memref_slice %arg6[%dma_wait3A, %dma_wait3A_15] : memref<56x2048xf32, #tpu.memory_space<vmem>> -> memref<16x2048xf32, #tpu.memory_space<vmem>>
    %dma_wait3A_17 = arith.constant 1008 : i32
    %dma_wait3A_18 = tpu.memref_slice %arg5[%dma_wait3A_17] : memref<1024xi32, #tpu.memory_space<vmem>> -> memref<16xi32, #tpu.memory_space<vmem>>
    %dma_wait3A_19 = arith.constant 0 : i32
    %dma_wait3A_20 = arith.constant 0 : i32
    %dma_wait3A_21 = tpu.memref_slice %arg3[%dma_wait3A_19, %dma_wait3A_20] : memref<51200x2048xf32, #tpu.memory_space<hbm>> -> memref<51200x2048xf32, #tpu.memory_space<hbm>>
    tpu.wait_indirect_dma semaphore(%arg7 : memref<!tpu.dma_semaphore, #tpu.memory_space<semaphore_mem>>) src(%dma_wait3A_21 : memref<51200x2048xf32, #tpu.memory_space<hbm>>) dst(%dma_wait3A_16 : memref<16x2048xf32, #tpu.memory_space<vmem>>)
    %add3A_22 = arith.constant 1008 : i32
    %add3A_23 = arith.addi %mul3A_2, %add3A_22 : i32
    "tpu.region"() ({
      %run_scoped3A = tpu.sem_alloc : memref<!tpu.dma_semaphore, #tpu.memory_space<semaphore_mem>>
      %dma_start3A_24 = arith.constant 0 : i32
      %dma_start3A_25 = arith.constant 0 : i32
      %dma_start3A_26 = tpu.memref_slice %arg6[%dma_start3A_24, %dma_start3A_25] : memref<56x2048xf32, #tpu.memory_space<vmem>> -> memref<16x2048xf32, #tpu.memory_space<vmem>>
      %dma_start3A_27 = arith.constant 0 : i32
      %dma_start3A_28 = tpu.memref_slice %arg4[%add3A_23, %dma_start3A_27] : memref<32768x2048xf32, #tpu.memory_space<hbm>> -> memref<16x2048xf32, #tpu.memory_space<hbm>>
      %dma_start3A_29 = arith.constant 0 : i32
      %dma_start3A_30 = tpu.memref_slice %arg4[%add3A_23, %dma_start3A_29] : memref<32768x2048xf32, #tpu.memory_space<hbm>> -> memref<16x2048xf32, #tpu.memory_space<hbm>>
      %dma_start3A_31 = arith.constant 0 : i32
      %dma_start3A_32 = arith.constant 0 : i32
      %dma_start3A_33 = tpu.memref_slice %arg6[%dma_start3A_31, %dma_start3A_32] : memref<56x2048xf32, #tpu.memory_space<vmem>> -> memref<16x2048xf32, #tpu.memory_space<vmem>>
      tpu.enqueue_dma source(%dma_start3A_33 : memref<16x2048xf32, #tpu.memory_space<vmem>>) target(%dma_start3A_30 : memref<16x2048xf32, #tpu.memory_space<hbm>>) target_semaphore(%run_scoped3A : memref<!tpu.dma_semaphore, #tpu.memory_space<semaphore_mem>>)
      %dma_wait3A_34 = arith.constant 0 : i32
      %dma_wait3A_35 = arith.constant 0 : i32
      %dma_wait3A_36 = tpu.memref_slice %arg6[%dma_wait3A_34, %dma_wait3A_35] : memref<56x2048xf32, #tpu.memory_space<vmem>> -> memref<16x2048xf32, #tpu.memory_space<vmem>>
      %dma_wait3A_37 = arith.constant 0 : i32
      %dma_wait3A_38 = tpu.memref_slice %arg4[%add3A_23, %dma_wait3A_37] : memref<32768x2048xf32, #tpu.memory_space<hbm>> -> memref<16x2048xf32, #tpu.memory_space<hbm>>
      %dma_wait3A_39 = arith.constant 0 : i32
      %dma_wait3A_40 = tpu.memref_slice %arg4[%add3A_23, %dma_wait3A_39] : memref<32768x2048xf32, #tpu.memory_space<hbm>> -> memref<16x2048xf32, #tpu.memory_space<hbm>>
      %dma_wait3A_41 = arith.constant 0 : i32
      %dma_wait3A_42 = arith.constant 0 : i32
      %dma_wait3A_43 = tpu.memref_slice %arg6[%dma_wait3A_41, %dma_wait3A_42] : memref<56x2048xf32, #tpu.memory_space<vmem>> -> memref<16x2048xf32, #tpu.memory_space<vmem>>
      tpu.wait_dma2 semaphore(%run_scoped3A : memref<!tpu.dma_semaphore, #tpu.memory_space<semaphore_mem>>) src(%dma_wait3A_43 : memref<16x2048xf32, #tpu.memory_space<vmem>>) dst(%dma_wait3A_40 : memref<16x2048xf32, #tpu.memory_space<hbm>>)
      tpu.yield
    }) : () -> ()
    return
  }
}

</mosaic_0001>

<sc_bundles>
// kernel: kernel.3.cloned.1.call-start
scs
__scs_entry_jumppad:
0x0: {  	(pc) =	sbr.rel $0x88, $3  }
0x1: {  	(tag) =	ssettag $0x0;
	lr =	simm.s32 $0x1  }
0x2: {  	[smem:$0x3F9F] =	sst lr;
	_ =	strace $0xD0000000  }
0x3: {  	_ = 	snop  }
0x4: {  	_ = 	snop  }
0x5: {  	_ = 	snop  }
0x6: {  	_ = 	snop  }
0x7: {  	_ = 	snop  }
__scs_overlays_trampoline_lowered:
0x8: {  	[smem:$0x3FAE] =	sst s0  }
0x9: {  	[smem:$0x3FAF] =	sst s1  }
0xa: {  	[smem:$0x3FB0] =	sst s2  }
0xb: {  	[smem:$0x3FB1] =	sst s3  }
0xc: {  	[smem:$0x3FB2] =	sst s4  }
0xd: {  	[smem:$0x3FB3] =	sst s5  }
0xe: {  	[smem:$0x3FB4] =	sst s6  }
0xf: {  	[smem:$0x3FB5] =	sst s7  }
0x10: {  	[smem:$0x3FB6] =	sst s8  }
0x11: {  	[smem:$0x3FB7] =	sst s9;
	s0 =	simm.s32 @!p0 $0x0  }
0x12: {  	s1 =	sld [smem:$0x3F9D];
	s0 =	simm.s32 @p0 $0x1  }
0x13: {  	[smem:$0x3FB8] =	sst s0;
	s0 =	simm.s32 @!p1 $0x0  }
0x14: {  	s2 =	sld [smem:$0x3F9C];
	s0 =	simm.s32 @p1 $0x1  }
0x15: {  	[smem:$0x3FB9] =	sst s0;
	s0 =	simm.s32 @!p2 $0x0  }
0x16: {  	s3 =	sld [smem:$0x3FDB];
	s0 =	simm.s32 @p2 $0x1  }
0x17: {  	s4 =	simm.s32 $0x1BF5;
	[smem:$0x3FBB] =	sst s0  }
0x18: {  	s0 =	sld [smem:$0x3F9E];
	_ =	swait.ge [sflag:s4], $0x0  }
0x19: {  	s7 =	sld [smem:$0x3F9F]  }
0x1a: {  	s8 =	sadd.s32 $0xFFFFE003, lr  }
0x1b: {  	s9 =	sadd.s32 $0xFFFFFEF7, lr;
	s5 =	simm.s32 $0xFFFFFFFF;
	p2 =	slt.u32 s8, $0xFFFFF086  }
0x1c: {  	p1 =	slt.u32 s9, $0xF7A;
	s5 =	simm.s32 @!p2 $0x0  }
0x1d: {  	s5 =	simm.s32 @p1 $0x1;
	p0 =	seq.s32 s7, s2  }
0x1e: {  	s7 =	smul.u32 @!p0 $0xF7A, s2;
	p2 =	seq.s32 @!p0 s5, $0x0  }
0x1f: {  	s9 =	smul.u32 $0xF7A, s1;
	s8 =	simm.s32 @!p0 $0x1BF5;
	p2 =	por !p2, p0  }
0x20: {  	[sflag:s8] =	ssyncset.s32 @!p0 $0xFFFFF086;
	s6 =	sadd.s32 @!p0 s3, s7;
	s7 =	simm.s32 @!p0 $0x108  }
0x21: {  	s3 =	sadd.s32 s3, s9;
	s6 =	sadd.s32 @!p0 $0x88, s6;
	s7 =	simm.s32 @p2 $0x1082  }
0x22: {  	[simem:s7], [sflag:s8] =	dma.local @!p0 [hbm:s6], $0xF7A  }
0x23: {  	s9 =	sor.u32 $0xD0000000, s2;
	s6 =	simm.s32 $0x108;
	_ =	swait.ge @!p0 [sflag:s8], $0x0  }
0x24: {  	s3 =	sadd.s32 $0x88, s3;
	s6 =	simm.s32 @!p1 $0x1082;
	[sflag:s4] =	ssyncset.s32 $0xFFFFF086  }
0x25: {  	[simem:s6], [sflag:s4] =	dma.local [hbm:s3], $0xF7A  }
0x26: {  	[smem:$0x3F9F] =	sst s1;
	(tag) =	ssettag s2;
	_ =	strace s9  }
0x27: {  	s1 =	sld [smem:$0x3FAF]  }
0x28: {  	s2 =	sld [smem:$0x3FB0]  }
0x29: {  	s4 =	sld [smem:$0x3FB2]  }
0x2a: {  	p0 =	seq.s32 s5, $0x0;
	s5 =	sld [smem:$0x3FB3]  }
0x2b: {  	s6 =	sld [smem:$0x3FB4]  }
0x2c: {  	s7 =	sld [smem:$0x3FB5]  }
0x2d: {  	s3 =	simm.s32 $0x108;
	s8 =	sld [smem:$0x3FB6]  }
0x2e: {  	s3 =	simm.s32 @!p0 $0x1082;
	s9 =	sld [smem:$0x3FB7]  }
0x2f: {  	lr =	sadd.s32 s0, s3;
	s0 =	sld [smem:$0x3FAE]  }
0x30: {  	s3 =	sld [smem:$0x3FB1]  }
0x31: {  	[smem:$0x3FBA] =	sst s10  }
0x32: {  	s10 =	sld [smem:$0x3FB8];
	_ =	sdelay $0x3  }
0x33: {  	p0 =	seq.s32 s10, $0x1;
	s10 =	sld [smem:$0x3FBA];
	_ =	sdelay $0x3  }
0x34: {  	[smem:$0x3FBA] =	sst s10  }
0x35: {  	s10 =	sld [smem:$0x3FB9];
	_ =	sdelay $0x3  }
0x36: {  	p1 =	seq.s32 s10, $0x1;
	s10 =	sld [smem:$0x3FBA];
	_ =	sdelay $0x3  }
0x37: {  	[smem:$0x3FBA] =	sst s10  }
0x38: {  	s10 =	sld [smem:$0x3FBB]  }
0x39: {  	_ = 	snop;
	(pc) =	sbr.ind lr, $3  }
0x3a: {  	_ = 	snop  }
0x3b: {  	_ = 	snop  }
0x3c: {  	p2 =	seq.s32 s10, $0x1;
	s10 =	sld [smem:$0x3FBA]  }
0x3d: {  	_ =	shalt  }
0x3e: {  	_ =	shalt  }
0x3f: {  	_ =	shalt  }
0x40: {  	_ =	shalt  }
0x41: {  	_ =	shalt  }
0x42: {  	_ =	shalt  }
0x43: {  	_ =	shalt  }
0x44: {  	_ =	shalt  }
0x45: {  	_ =	shalt  }
0x46: {  	_ =	shalt  }
0x47: {  	_ =	shalt  }
0x48: {  	_ =	shalt  }
0x49: {  	_ =	shalt  }
0x4a: {  	_ =	shalt  }
0x4b: {  	_ =	shalt  }
0x4c: {  	_ =	shalt  }
0x4d: {  	_ =	shalt  }
0x4e: {  	_ =	shalt  }
0x4f: {  	_ =	shalt  }
0x50: {  	_ =	shalt  }
0x51: {  	_ =	shalt  }
0x52: {  	_ =	shalt  }
0x53: {  	_ =	shalt  }
0x54: {  	_ =	shalt  }
0x55: {  	_ =	shalt  }
0x56: {  	_ =	shalt  }
0x57: {  	_ =	shalt  }
0x58: {  	_ =	shalt  }
0x59: {  	_ =	shalt  }
0x5a: {  	_ =	shalt  }
0x5b: {  	_ =	shalt  }
0x5c: {  	_ =	shalt  }
0x5d: {  	_ =	shalt  }
0x5e: {  	_ =	shalt  }
0x5f: {  	_ =	shalt  }
0x60: {  	_ =	shalt  }
0x61: {  	_ =	shalt  }
0x62: {  	_ =	shalt  }
0x63: {  	_ =	shalt  }
0x64: {  	_ =	shalt  }
0x65: {  	_ =	shalt  }
0x66: {  	_ =	shalt  }
0x67: {  	_ =	shalt  }
0x68: {  	_ =	shalt  }
0x69: {  	_ =	shalt  }
0x6a: {  	_ =	shalt  }
0x6b: {  	_ =	shalt  }
0x6c: {  	_ =	shalt  }
0x6d: {  	_ =	shalt  }
0x6e: {  	_ =	shalt  }
0x6f: {  	_ =	shalt  }
0x70: {  	_ =	shalt  }
0x71: {  	_ =	shalt  }
0x72: {  	_ =	shalt  }
0x73: {  	_ =	shalt  }
0x74: {  	_ =	shalt  }
0x75: {  	_ =	shalt  }
0x76: {  	_ =	shalt  }
0x77: {  	_ =	shalt  }
0x78: {  	_ =	shalt  }
0x79: {  	_ =	shalt  }
0x7a: {  	_ =	shalt  }
0x7b: {  	_ =	shalt  }
0x7c: {  	_ =	shalt  }
0x7d: {  	_ =	shalt  }
0x7e: {  	_ =	shalt  }
0x7f: {  	_ =	shalt  }
0x80: {  	_ =	shalt  }
0x81: {  	_ =	shalt  }
0x82: {  	_ =	shalt  }
0x83: {  	_ =	shalt  }
0x84: {  	_ =	shalt  }
0x85: {  	_ =	shalt  }
0x86: {  	_ =	shalt  }
0x87: {  	_ =	shalt  }
.Lfunc_end0:
.L_simem_size_0:
called_computation_lowered:
.L_overlay_start_0:
0x88: {  	s2 =	sld [smem:$0x3FD9]  }
0x89: {  	s3 =	sld [smem:$0x3FFE];
	_ =	sdelay $0x1  }
0x8a: {  	s1 =	srdreg.scid  }
0x8b: {  	s0 =	sand.u32 $0x1, s1  }
0x8c: {  	s17 =	sshll.u32 s0, $0xA;
	s2 =	sadd.s32 s3, s2  }
0x8d: {  	s2 =	sadd.s32 s2, s17  }
0x8e: {  	[smem:$0x3FC6] =	sst s2  }
0x8f: {  	_ = 	snop  }
0x90: {  	s2 =	sld [smem:$0x3FC8]  }
0x91: {  	s18 =	sld [smem:$0x3FD0];
	(tm) =	ssettm $0x1  }
0x92: {  	s4 =	sld [smem:$0x3FFB];
	_ =	sdelay $0x3  }
0x93: {  	_ =	strace s4  }
0x94: {  	s4 =	sld [smem:$0x3FFC];
	_ =	sdelay $0x3  }
0x95: {  	_ =	strace s4  }
0x96: {  	s4 =	sld [smem:$0x3FFD];
	_ =	sdelay $0x3  }
0x97: {  	_ =	strace s4  }
0x98: {  	_ =	strace $0x8FFFFFFF  }
0x99: {  	s19 =	sld [smem:$0x3FDB];
	_ =	sdelay $0x1  }
0x9a: {  	s5 =	simm.s32 $_scs_section_size  }
0x9b: {  	s6 =	simm.s32 $_size__tile_overlayer_lowered;
	s7 =	simm.s32 $_tile_overlayer_lowered  }
0x9c: {  	s22 =	simm.s32 $0x1BFF;
	s21 =	sshll.u32 s7, $0x1;
	s4 =	sadd.s32 s5, s19  }
0x9d: {  	s8 =	simm.s32 $0x0;
	s20 =	sshll.u32 s6, $0x1;
	s6 =	sadd.s32 s21, s4  }
0x9e: {  	[timem:s8], [sflag:s22] =	dma.local [hbm:s6], s20  }
0x9f: {  	_ =	swait.ge [sflag:s22], s20  }
0xa0: {  	s5 =	ssub.s32 $0x0, s20;
	[sflag:s22] =	ssyncset.done $0x0  }
0xa1: {  	[sflag:s22] =	ssyncadd.s32 s5;
	_ =	sdelay $0x1  }
0xa2: {  	s23 =	simm.s32 $0x1B8B  }
0xa3: {  	_ =	swait.ge [sflag:s23], $0x1  }
0xa4: {  	[sflag:s23] =	ssyncset.done $0x0  }
0xa5: {  	s25 =	simm.s32 $0x1B8E;
	s24 =	sld [smem:$0x3FFE];
	[sflag:s23] =	ssyncadd.s32 $0xFFFFFFFF  }
0xa6: {  	s26 =	simm.s32 $execute0_lowered;
	[smem:$0x3FD2] =	sst s25  }
0xa7: {  	s6 =	sshll.u32 s26, $0x1;
	_ =	strace $0x80000046;
	[dreg:$0x1] =	wrdreg $0xFFFFFFFF  }
0xa8: {  	s28 =	simm.s32 $_size_execute0_lowered;
	s4 =	sadd.s32 s4, s6;
	[dreg:$0x0] =	wrdreg $0x0  }
0xa9: {  	s6 =	sshll.u32 s28, $0x1;
	[dreg:$0x2] =	wrdreg s4  }
0xaa: {  	[dreg:$0x3] =	wrdreg s6  }
0xab: {  	[dreg:$0x4] =	wrdreg $0xC0  }
0xac: {  	_ =	task [dreg:s8], $0x5FFFF  }
0xad: {  	[dreg:$0x1] =	wrdreg $0xFFFFFFFF  }
0xae: {  	[dreg:$0x0] =	wrdreg $0x60  }
0xaf: {  	[dreg:$0x2] =	wrdreg s24  }
0xb0: {  	[dreg:$0x3] =	wrdreg s2  }
0xb1: {  	[dreg:$0x4] =	wrdreg s18  }
0xb2: {  	[dreg:$0x5] =	wrdreg $0x9  }
0xb3: {  	_ =	task.clear_ibuf [dreg:s8], $0x6FFFF;
	_ =	strace $0x90000046  }
0xb4: {  	s29 =	simm.s32 $0x9;
	_ =	strace $0x80000048  }
0xb5: {  	_ =	swait.ge [sflag:s29], $0x1  }
0xb6: {  	[sflag:s29] =	ssyncadd.s32 $0xFFFFFFFF  }
0xb7: {  	_ =	strace $0x90000048  }
0xb8: {  	_ =	sfence  }
0xb9: {  	s30 =	sld [smem:$0x0];
	_ =	sdelay $0x2  }
0xba: {  	s31 =	sshll.u32 s1, $0xD;
	s1 =	sshrl.u32 s1, $0x2  }
0xbb: {  	s3 =	sand.u32 $0x4000, s31;
	s1 =	sadd.s32 s1, s30  }
0xbc: {  	s0 =	sor.u32 s3, s0;
	s1 =	sshll.u32 s1, $0x11  }
0xbd: {  	s0 =	sor.u32 s1, s0  }
0xbe: {  	s0 =	sadd.s32 $0x8F2B, s0  }
0xbf: {  	[sflag:s0] =	ssyncadd.remote.s32 $0x1  }
0xc0: {  	_ =	sfence.sel $0xFFFF  }
0xc1: {  	[dreg:$0x0] =	wrdreg $0xFFFFFFFF;
	(pc) =	sbr.abs _section_cstart, $3  }
0xc2: {  	[dreg:$0x1] =	wrdreg $0xFFFFFFFF  }
0xc3: {  	_ =	task.clear_ibuf [dreg:s8], $0x2FFFF;
	_ =	strace $0x9FFFFFFF  }
0xc4: {  	(tm) =	ssettm $0x7FFFFFFF  }
0xc5: {  	_ =	shalt  }
tec
execute0_lowered:
.L_overlay_start_1:
0x0: {  	(tag) =	ssettag $0x1  }
0x1: {  	s1 =	rddreg [dreg:$0x0]  }
0x2: {  	s0 =	srdreg.scid;
	s2 =	rddreg [dreg:$0x1]  }
0x3: {  	s3 =	simm.s32 $0x0;
	s4 =	sand.u32 $0x1, s0;
	s0 =	rddreg [dreg:$0x2]  }
0x4: {  	s14 =	simm.s32 $0x8400;
	[smem:$0x7FF] =	sst s3  }
0x5: {  	s15 =	simm.s32 $0x8C00;
	_ =	strace $0x80000047;
	[dreg:$0x5] =	wrdreg s14  }
0x6: {  	s16 =	simm.s32 $0x9400;
	[dreg:$0x6] =	wrdreg s15  }
0x7: {  	s17 =	simm.s32 $0x9C00;
	[dreg:$0x7] =	wrdreg s16  }
0x8: {  	s18 =	simm.s32 $0xA400;
	[dreg:$0x8] =	wrdreg s17  }
0x9: {  	s19 =	simm.s32 $0xAC00;
	[dreg:$0x9] =	wrdreg s18  }
0xa: {  	s20 =	simm.s32 $0xB400;
	[dreg:$0xa] =	wrdreg s19  }
0xb: {  	s21 =	simm.s32 $0xBC00;
	[dreg:$0xb] =	wrdreg s20  }
0xc: {  	s8 =	stileid.u32;
	s23 =	simm.s32 $0xC400;
	[dreg:$0xc] =	wrdreg s21  }
0xd: {  	s24 =	simm.s32 $0xCC00;
	s25 =	simm.s32 $0xD400;
	[dreg:$0xd] =	wrdreg s23  }
0xe: {  	s9 =	simm.s32 $0xDC00;
	s10 =	simm.s32 $0xE400;
	[dreg:$0xe] =	wrdreg s24  }
0xf: {  	s11 =	simm.s32 $0xEC00;
	s28 =	simm.s32 $0x5C00;
	[dreg:$0xf] =	wrdreg s25  }
0x10: {  	s29 =	simm.s32 $0x6400;
	s30 =	simm.s32 $0x6C00;
	[dreg:$0x10] =	wrdreg s9  }
0x11: {  	s31 =	simm.s32 $0x7400;
	s5 =	sshll.u32 s8, $0x16;
	[dreg:$0x11] =	wrdreg s10  }
0x12: {  	s22 =	sshll.u32 s8, $0x8;
	[dreg:$0x12] =	wrdreg s11;
	s14 =	simm.s32 $0xF400  }
0x13: {  	s13 =	sshll.u32 s8, $0x1;
	s15 =	simm.s32 $0xFC00;
	[dreg:$0x13] =	wrdreg s14  }
0x14: {  	s8 =	sadd.s32 $0x400, s2;
	s16 =	simm.s32 $0x10400;
	[dreg:$0x14] =	wrdreg s15  }
0x15: {  	s6 =	sshll.u32 s4, $0x15;
	s17 =	simm.s32 $0x10C00;
	[dreg:$0x15] =	wrdreg s16  }
0x16: {  	s26 =	ssub.s32 $0x2, s4;
	s18 =	simm.s32 $0x11400;
	[dreg:$0x16] =	wrdreg s17  }
0x17: {  	s4 =	sor.u32 s4, s13;
	s19 =	simm.s32 $0x11C00;
	[dreg:$0x17] =	wrdreg s18  }
0x18: {  	s20 =	simm.s32 $0x12400;
	s21 =	simm.s32 $0x12C00;
	[dreg:$0x18] =	wrdreg s19  }
0x19: {  	s23 =	simm.s32 $0x13C00;
	s9 =	sadd.s32 $0x500, s2;
	[dreg:$0x19] =	wrdreg s20  }
0x1a: {  	s24 =	simm.s32 $0x14400;
	s10 =	sadd.s32 $0x600, s2;
	[dreg:$0x1a] =	wrdreg s21  }
0x1b: {  	s25 =	simm.s32 $0x14C00;
	s11 =	sadd.s32 $0x700, s2;
	[dreg:$0x1c] =	wrdreg s23  }
0x1c: {  	s13 =	simm.s32 $0x15C00;
	s5 =	sor.u32 s6, s5;
	[dreg:$0x1d] =	wrdreg s24  }
0x1d: {  	s6 =	sand.u32 $0xC00, s22;
	s7 =	sshrl.u32 s26, $0x1;
	[dreg:$0x1e] =	wrdreg s25  }
0x1e: {  	s22 =	simm.s32 $0x13400;
	[smem:$0x7EF] =	sst s13;
	s14 =	simm.s32 $0x16400  }
0x1f: {  	s15 =	simm.s32 $0x16C00;
	s17 =	simm.s32 $0x17400;
	s18 =	simm.s32 $0x17C00  }
0x20: {  	s19 =	simm.s32 $0x18400;
	s20 =	simm.s32 $0x18C00;
	[dreg:$0x1b] =	wrdreg s22  }
0x21: {  	s21 =	simm.s32 $0x19400;
	s23 =	simm.s32 $0x1A400;
	[smem:$0x7F1] =	sst s14  }
0x22: {  	s24 =	simm.s32 $0x1AC00;
	s25 =	simm.s32 $0x1B400;
	[smem:$0x7F3] =	sst s15  }
0x23: {  	s5 =	sshrl.u32 s5, $0x3;
	s1 =	sadd.s32 s6, s1;
	[smem:$0x7F4] =	sst s17  }
0x24: {  	s12 =	ssub.s32 s26, s7;
	s6 =	sshll.u32 s4, $0x4;
	[smem:$0x7F5] =	sst s18  }
0x25: {  	s7 =	sadd.s32 $0x300, s2;
	s26 =	simm.s32 $0x15400;
	[smem:$0x7F6] =	sst s19  }
0x26: {  	s4 =	sshll.u32 s4, $0x12;
	s15 =	simm.s32 $0x400;
	[smem:$0x7F7] =	sst s20  }
0x27: {  	s17 =	simm.s32 $0xC00;
	s18 =	simm.s32 $0x1400;
	[smem:$0x7F8] =	sst s21  }
0x28: {  	s22 =	simm.s32 $0x19C00;
	s19 =	simm.s32 $0x1C00;
	[smem:$0x7FA] =	sst s23  }
0x29: {  	s20 =	simm.s32 $0x2400;
	s21 =	simm.s32 $0x2C00;
	[smem:$0x7FB] =	sst s24  }
0x2a: {  	[smem:$0x7FC] =	sst s25;
	s23 =	simm.s32 $0x3C00;
	s24 =	simm.s32 $0x4400  }
0x2b: {  	s25 =	simm.s32 $0x4C00;
	s5 =	sadd.s32 s5, s0;
	s6 =	sand.u32 $0x70, s6  }
0x2c: {  	[dreg:$0x1f] =	wrdreg s26;
	s0 =	sadd.s32 s4, s0;
	s16 =	smax.u32 s12, $0x1  }
0x2d: {  	[smem:$0x7F9] =	sst s22;
	s22 =	simm.s32 $0x3400;
	s26 =	simm.s32 $0x1BC00  }
0x2e: {  	s12 =	simm.s32 $0x0;
	[dreg:$0x4] =	wrdreg s5;
	s1 =	sadd.s32 s6, s1  }
0x2f: {  	s5 =	sadd.s32 $0x100, s2;
	s6 =	sadd.s32 $0x200, s2;
	[smem:$0x7F2] =	sst s16  }
0x30: {  	v2 =	vlaneseq.u32;
	s0 =	sadd.s32 $0x3F000, s0;
	s16 =	simm.s32 $0x2;
	[smem:$0x7FD] =	sst s26  }
0x31: {  	vm0 =	vmmov $0xffff;
	v1 =	vshrl.u32 v2, $0x3;
	s26 =	simm.s32 $0x5400;
	s1 =	sadd.s32 $0x400, s1;
	[smem:$0x7F0] =	sst s0  }
0x32: {  	v0 =	vand.u32 $0x7, v2;
	v2 =	vor.u32 $0x8, v2;
	v1 =	vmul.u32 $0x8, v1;
	s0 =	simm.s32 $0x1;
	[smem:$0x7EE] =	sst s1;
	s1 =	simm.s32 $0x7C00  }
.LBB2_1:
0x33: {  	s4 =	sld [smem:$0x7EE];
	_ =	sdelay $0x1  }
0x34: {  	[smem:$0x7ED] =	sst s12;
	s14 =	simm.s32 $0x80  }
0x35: {  	[tilespmem:s3], [sflag:$0x2] =	stream.strided.gather [hbm4b:s4+s14], $0x400, s15, s14, $0x38;
	[tilespmem:$0x1C400] =	vst v63  }
0x36: {  	_ =	swait.ge [sflag:s16], $0x400  }
0x37: {  	[sflag:s16] =	ssyncset.done $0x0  }
0x38: {  	s12 =	simm.s32 $0x0;
	s4 =	simm.s32 $0x20;
	[sflag:s16] =	ssyncadd.s32 $0xFFFFFC00  }
.LBB2_2:
0x39: {  	v3 =	vld [tilespmem:s4+$0xFFFFFFE0];
	_ =	sdelay $0x4  }
0x3a: {  	v4 =	vshll.u32 v3, $0x4  }
0x3b: {  	v3 =	vand.u32 $0x7, v3;
	v4 =	vand.u32 $0xFFFFFF80, v4  }
0x3c: {  	v3 =	vor.u32 v3, v4  }
0x3d: {  	v4 =	vperm.xlane v3, v0;
	_ =	sdelay $0x1  }
0x3e: {  	v4 =	vadd.s32 v1, v4;
	_ =	sdelay $0x4  }
0x3f: {  	[tilespmem:s15], [sflag:$0x1] =	stream.indirect_vreg.gather [hbm4b:s2+s3], $0x80, v4, vm0, $0xb8;
	[tilespmem:$0x1C400] =	vst v63  }
0x40: {  	_ = 	snop  }
0x41: {  	[tilespmem:s17], [sflag:$0x1] =	stream.indirect_vreg.gather [hbm4b:s5+s3], $0x80, v4, vm0, $0xb8;
	[tilespmem:$0x1C400] =	vst v63  }
0x42: {  	_ = 	snop  }
0x43: {  	[tilespmem:s18], [sflag:$0x1] =	stream.indirect_vreg.gather [hbm4b:s6+s3], $0x80, v4, vm0, $0xb8;
	[tilespmem:$0x1C400] =	vst v63  }
0x44: {  	_ = 	snop  }
0x45: {  	[tilespmem:s19], [sflag:$0x1] =	stream.indirect_vreg.gather [hbm4b:s7+s3], $0x80, v4, vm0, $0xb8;
	[tilespmem:$0x1C400] =	vst v63  }
0x46: {  	_ = 	snop  }
0x47: {  	[tilespmem:s20], [sflag:$0x1] =	stream.indirect_vreg.gather [hbm4b:s8+s3], $0x80, v4, vm0, $0xb8;
	[tilespmem:$0x1C400] =	vst v63  }
0x48: {  	v3 =	vperm.xlane v3, v2  }
0x49: {  	[tilespmem:s21], [sflag:$0x1] =	stream.indirect_vreg.gather [hbm4b:s9+s3], $0x80, v4, vm0, $0xb8;
	[tilespmem:$0x1C400] =	vst v63  }
0x4a: {  	v3 =	vadd.s32 v1, v3  }
0x4b: {  	[tilespmem:s22], [sflag:$0x1] =	stream.indirect_vreg.gather [hbm4b:s10+s3], $0x80, v4, vm0, $0xb8;
	[tilespmem:$0x1C400] =	vst v63  }
0x4c: {  	_ = 	snop  }
0x4d: {  	[tilespmem:s23], [sflag:$0x1] =	stream.indirect_vreg.gather [hbm4b:s11+s3], $0x80, v4, vm0, $0xb8;
	[tilespmem:$0x1C400] =	vst v63  }
0x4e: {  	_ = 	snop  }
0x4f: {  	[tilespmem:s24], [sflag:$0x1] =	stream.indirect_vreg.gather [hbm4b:s2+s3], $0x80, v3, vm0, $0xb8;
	[tilespmem:$0x1C400] =	vst v63  }
0x50: {  	_ = 	snop  }
0x51: {  	[tilespmem:s25], [sflag:$0x1] =	stream.indirect_vreg.gather [hbm4b:s5+s3], $0x80, v3, vm0, $0xb8;
	[tilespmem:$0x1C400] =	vst v63  }
0x52: {  	_ = 	snop  }
0x53: {  	[tilespmem:s26], [sflag:$0x1] =	stream.indirect_vreg.gather [hbm4b:s6+s3], $0x80, v3, vm0, $0xb8;
	[tilespmem:$0x1C400] =	vst v63  }
0x54: {  	_ = 	snop  }
0x55: {  	[tilespmem:s28], [sflag:$0x1] =	stream.indirect_vreg.gather [hbm4b:s7+s3], $0x80, v3, vm0, $0xb8;
	[tilespmem:$0x1C400] =	vst v63  }
0x56: {  	_ = 	snop  }
0x57: {  	[tilespmem:s29], [sflag:$0x1] =	stream.indirect_vreg.gather [hbm4b:s8+s3], $0x80, v3, vm0, $0xb8;
	[tilespmem:$0x1C400] =	vst v63  }
0x58: {  	_ = 	snop  }
0x59: {  	[tilespmem:s30], [sflag:$0x1] =	stream.indirect_vreg.gather [hbm4b:s9+s3], $0x80, v3, vm0, $0xb8;
	[tilespmem:$0x1C400] =	vst v63  }
0x5a: {  	_ = 	snop  }
0x5b: {  	[tilespmem:s31], [sflag:$0x1] =	stream.indirect_vreg.gather [hbm4b:s10+s3], $0x80, v3, vm0, $0xb8;
	[tilespmem:$0x1C400] =	vst v63  }
0x5c: {  	_ = 	snop  }
0x5d: {  	[tilespmem:s1], [sflag:$0x1] =	stream.indirect_vreg.gather [hbm4b:s11+s3], $0x80, v3, vm0, $0xb8;
	[tilespmem:$0x1C400] =	vst v63  }
0x5e: {  	v3 =	vld [tilespmem:s4+$0xFFFFFFF0];
	_ =	sdelay $0x4  }
0x5f: {  	v61 =	vshll.u32 v3, $0x4  }
0x60: {  	v3 =	vand.u32 $0x7, v3;
	v4 =	vand.u32 $0xFFFFFF80, v61  }
0x61: {  	v3 =	vor.u32 v3, v4  }
0x62: {  	v4 =	vperm.xlane v3, v0;
	_ =	sdelay $0x1  }
0x63: {  	v4 =	vadd.s32 v1, v4;
	_ =	sdelay $0x3  }
0x64: {  	s13 =	rddreg [dreg:$0x5]  }
0x65: {  	[tilespmem:s13], [sflag:$0x1] =	stream.indirect_vreg.gather [hbm4b:s2+s3], $0x80, v4, vm0, $0xb8;
	[tilespmem:$0x1C400] =	vst v63  }
0x66: {  	s14 =	rddreg [dreg:$0x6]  }
0x67: {  	[tilespmem:s14], [sflag:$0x1] =	stream.indirect_vreg.gather [hbm4b:s5+s3], $0x80, v4, vm0, $0xb8;
	[tilespmem:$0x1C400] =	vst v63  }
0x68: {  	s13 =	rddreg [dreg:$0x7]  }
0x69: {  	[tilespmem:s13], [sflag:$0x1] =	stream.indirect_vreg.gather [hbm4b:s6+s3], $0x80, v4, vm0, $0xb8;
	[tilespmem:$0x1C400] =	vst v63  }
0x6a: {  	s14 =	rddreg [dreg:$0x8]  }
0x6b: {  	[tilespmem:s14], [sflag:$0x1] =	stream.indirect_vreg.gather [hbm4b:s7+s3], $0x80, v4, vm0, $0xb8;
	[tilespmem:$0x1C400] =	vst v63  }
0x6c: {  	s13 =	rddreg [dreg:$0x9]  }
0x6d: {  	[tilespmem:s13], [sflag:$0x1] =	stream.indirect_vreg.gather [hbm4b:s8+s3], $0x80, v4, vm0, $0xb8;
	[tilespmem:$0x1C400] =	vst v63  }
0x6e: {  	v3 =	vperm.xlane v3, v2;
	s14 =	rddreg [dreg:$0xa]  }
0x6f: {  	[tilespmem:s14], [sflag:$0x1] =	stream.indirect_vreg.gather [hbm4b:s9+s3], $0x80, v4, vm0, $0xb8;
	[tilespmem:$0x1C400] =	vst v63  }
0x70: {  	v3 =	vadd.s32 v1, v3;
	s13 =	rddreg [dreg:$0xb]  }
0x71: {  	[tilespmem:s13], [sflag:$0x1] =	stream.indirect_vreg.gather [hbm4b:s10+s3], $0x80, v4, vm0, $0xb8;
	[tilespmem:$0x1C400] =	vst v63  }
0x72: {  	s14 =	rddreg [dreg:$0xc]  }
0x73: {  	[tilespmem:s14], [sflag:$0x1] =	stream.indirect_vreg.gather [hbm4b:s11+s3], $0x80, v4, vm0, $0xb8;
	[tilespmem:$0x1C400] =	vst v63  }
0x74: {  	s13 =	rddreg [dreg:$0xd]  }
0x75: {  	[tilespmem:s13], [sflag:$0x1] =	stream.indirect_vreg.gather [hbm4b:s2+s3], $0x80, v3, vm0, $0xb8;
	[tilespmem:$0x1C400] =	vst v63  }
0x76: {  	s14 =	rddreg [dreg:$0xe]  }
0x77: {  	[tilespmem:s14], [sflag:$0x1] =	stream.indirect_vreg.gather [hbm4b:s5+s3], $0x80, v3, vm0, $0xb8;
	[tilespmem:$0x1C400] =	vst v63  }
0x78: {  	s13 =	rddreg [dreg:$0xf]  }
0x79: {  	[tilespmem:s13], [sflag:$0x1] =	stream.indirect_vreg.gather [hbm4b:s6+s3], $0x80, v3, vm0, $0xb8;
	[tilespmem:$0x1C400] =	vst v63  }
0x7a: {  	s14 =	rddreg [dreg:$0x10]  }
0x7b: {  	[tilespmem:s14], [sflag:$0x1] =	stream.indirect_vreg.gather [hbm4b:s7+s3], $0x80, v3, vm0, $0xb8;
	[tilespmem:$0x1C400] =	vst v63  }
0x7c: {  	s13 =	rddreg [dreg:$0x11]  }
0x7d: {  	[tilespmem:s13], [sflag:$0x1] =	stream.indirect_vreg.gather [hbm4b:s8+s3], $0x80, v3, vm0, $0xb8;
	[tilespmem:$0x1C400] =	vst v63  }
0x7e: {  	s14 =	rddreg [dreg:$0x12]  }
0x7f: {  	[tilespmem:s14], [sflag:$0x1] =	stream.indirect_vreg.gather [hbm4b:s9+s3], $0x80, v3, vm0, $0xb8;
	[tilespmem:$0x1C400] =	vst v63  }
0x80: {  	s13 =	rddreg [dreg:$0x13]  }
0x81: {  	[tilespmem:s13], [sflag:$0x1] =	stream.indirect_vreg.gather [hbm4b:s10+s3], $0x80, v3, vm0, $0xb8;
	[tilespmem:$0x1C400] =	vst v63  }
0x82: {  	s14 =	rddreg [dreg:$0x14]  }
0x83: {  	[tilespmem:s14], [sflag:$0x1] =	stream.indirect_vreg.gather [hbm4b:s11+s3], $0x80, v3, vm0, $0xb8;
	[tilespmem:$0x1C400] =	vst v63  }
0x84: {  	v3 =	vld [tilespmem:s4+$0x0];
	_ =	sdelay $0x4  }
0x85: {  	v62 =	vshll.u32 v3, $0x4  }
0x86: {  	v3 =	vand.u32 $0x7, v3;
	v4 =	vand.u32 $0xFFFFFF80, v62  }
0x87: {  	v3 =	vor.u32 v3, v4  }
0x88: {  	v4 =	vperm.xlane v3, v0;
	_ =	sdelay $0x1  }
0x89: {  	v4 =	vadd.s32 v1, v4;
	_ =	sdelay $0x2  }
0x8a: {  	s13 =	rddreg [dreg:$0x15]  }
0x8b: {  	s14 =	rddreg [dreg:$0x16]  }
0x8c: {  	[tilespmem:s13], [sflag:$0x1] =	stream.indirect_vreg.gather [hbm4b:s2+s3], $0x80, v4, vm0, $0xb8;
	[tilespmem:$0x1C400] =	vst v63  }
0x8d: {  	s13 =	rddreg [dreg:$0x17]  }
0x8e: {  	[tilespmem:s14], [sflag:$0x1] =	stream.indirect_vreg.gather [hbm4b:s5+s3], $0x80, v4, vm0, $0xb8;
	[tilespmem:$0x1C400] =	vst v63  }
0x8f: {  	s14 =	rddreg [dreg:$0x18]  }
0x90: {  	[tilespmem:s13], [sflag:$0x1] =	stream.indirect_vreg.gather [hbm4b:s6+s3], $0x80, v4, vm0, $0xb8;
	[tilespmem:$0x1C400] =	vst v63  }
0x91: {  	s13 =	rddreg [dreg:$0x19]  }
0x92: {  	[tilespmem:s14], [sflag:$0x1] =	stream.indirect_vreg.gather [hbm4b:s7+s3], $0x80, v4, vm0, $0xb8;
	[tilespmem:$0x1C400] =	vst v63  }
0x93: {  	s14 =	rddreg [dreg:$0x1a]  }
0x94: {  	[tilespmem:s13], [sflag:$0x1] =	stream.indirect_vreg.gather [hbm4b:s8+s3], $0x80, v4, vm0, $0xb8;
	[tilespmem:$0x1C400] =	vst v63  }
0x95: {  	v3 =	vperm.xlane v3, v2;
	s13 =	rddreg [dreg:$0x1b]  }
0x96: {  	[tilespmem:s14], [sflag:$0x1] =	stream.indirect_vreg.gather [hbm4b:s9+s3], $0x80, v4, vm0, $0xb8;
	[tilespmem:$0x1C400] =	vst v63  }
0x97: {  	v3 =	vadd.s32 v1, v3;
	s14 =	rddreg [dreg:$0x1c]  }
0x98: {  	[tilespmem:s13], [sflag:$0x1] =	stream.indirect_vreg.gather [hbm4b:s10+s3], $0x80, v4, vm0, $0xb8;
	[tilespmem:$0x1C400] =	vst v63  }
0x99: {  	s13 =	rddreg [dreg:$0x1d]  }
0x9a: {  	[tilespmem:s14], [sflag:$0x1] =	stream.indirect_vreg.gather [hbm4b:s11+s3], $0x80, v4, vm0, $0xb8;
	[tilespmem:$0x1C400] =	vst v63  }
0x9b: {  	s14 =	rddreg [dreg:$0x1e]  }
0x9c: {  	[tilespmem:s13], [sflag:$0x1] =	stream.indirect_vreg.gather [hbm4b:s2+s3], $0x80, v3, vm0, $0xb8;
	[tilespmem:$0x1C400] =	vst v63  }
0x9d: {  	s13 =	rddreg [dreg:$0x1f]  }
0x9e: {  	[tilespmem:s14], [sflag:$0x1] =	stream.indirect_vreg.gather [hbm4b:s5+s3], $0x80, v3, vm0, $0xb8;
	[tilespmem:$0x1C400] =	vst v63  }
0x9f: {  	s14 =	sld [smem:$0x7EF]  }
0xa0: {  	[tilespmem:s13], [sflag:$0x1] =	stream.indirect_vreg.gather [hbm4b:s6+s3], $0x80, v3, vm0, $0xb8;
	[tilespmem:$0x1C400] =	vst v63  }
0xa1: {  	s13 =	sld [smem:$0x7F1]  }
0xa2: {  	[tilespmem:s14], [sflag:$0x1] =	stream.indirect_vreg.gather [hbm4b:s7+s3], $0x80, v3, vm0, $0xb8;
	[tilespmem:$0x1C400] =	vst v63  }
0xa3: {  	s14 =	sld [smem:$0x7F3]  }
0xa4: {  	[tilespmem:s13], [sflag:$0x1] =	stream.indirect_vreg.gather [hbm4b:s8+s3], $0x80, v3, vm0, $0xb8;
	[tilespmem:$0x1C400] =	vst v63  }
0xa5: {  	s13 =	sld [smem:$0x7F4]  }
0xa6: {  	[tilespmem:s14], [sflag:$0x1] =	stream.indirect_vreg.gather [hbm4b:s9+s3], $0x80, v3, vm0, $0xb8;
	[tilespmem:$0x1C400] =	vst v63  }
0xa7: {  	s14 =	sld [smem:$0x7F5]  }
0xa8: {  	[tilespmem:s13], [sflag:$0x1] =	stream.indirect_vreg.gather [hbm4b:s10+s3], $0x80, v3, vm0, $0xb8;
	[tilespmem:$0x1C400] =	vst v63  }
0xa9: {  	_ = 	snop  }
0xaa: {  	[tilespmem:s14], [sflag:$0x1] =	stream.indirect_vreg.gather [hbm4b:s11+s3], $0x80, v3, vm0, $0xb8;
	[tilespmem:$0x1C400] =	vst v63  }
0xab: {  	v3 =	vld.msk [tilespmem:s4+$0x10], $0xff;
	_ =	sdelay $0x4  }
0xac: {  	v63 =	vshll.u32 v3, $0x4  }
0xad: {  	v3 =	vand.u32 $0x7, v3;
	v4 =	vand.u32 $0xFFFFFF80, v63  }
0xae: {  	v3 =	vor.u32 v3, v4  }
0xaf: {  	v3 =	vperm.xlane v3, v0;
	_ =	sdelay $0x1  }
0xb0: {  	v3 =	vadd.s32 v1, v3;
	_ =	sdelay $0x1  }
0xb1: {  	s13 =	sld [smem:$0x7F6];
	_ =	sdelay $0x1  }
0xb2: {  	s14 =	sld [smem:$0x7F7]  }
0xb3: {  	[tilespmem:s13], [sflag:$0x1] =	stream.indirect_vreg.gather [hbm4b:s2+s3], $0x80, v3, vm0, $0xb8;
	[tilespmem:$0x1C400] =	vst v63  }
0xb4: {  	s13 =	sld [smem:$0x7F8]  }
0xb5: {  	[tilespmem:s14], [sflag:$0x1] =	stream.indirect_vreg.gather [hbm4b:s5+s3], $0x80, v3, vm0, $0xb8;
	[tilespmem:$0x1C400] =	vst v63  }
0xb6: {  	s14 =	sld [smem:$0x7F9]  }
0xb7: {  	[tilespmem:s13], [sflag:$0x1] =	stream.indirect_vreg.gather [hbm4b:s6+s3], $0x80, v3, vm0, $0xb8;
	[tilespmem:$0x1C400] =	vst v63  }
0xb8: {  	s13 =	sld [smem:$0x7FA]  }
0xb9: {  	[tilespmem:s14], [sflag:$0x1] =	stream.indirect_vreg.gather [hbm4b:s7+s3], $0x80, v3, vm0, $0xb8;
	[tilespmem:$0x1C400] =	vst v63  }
0xba: {  	s14 =	sld [smem:$0x7FB]  }
0xbb: {  	[tilespmem:s13], [sflag:$0x1] =	stream.indirect_vreg.gather [hbm4b:s8+s3], $0x80, v3, vm0, $0xb8;
	[tilespmem:$0x1C400] =	vst v63  }
0xbc: {  	s13 =	sld [smem:$0x7FC]  }
0xbd: {  	[tilespmem:s14], [sflag:$0x1] =	stream.indirect_vreg.gather [hbm4b:s9+s3], $0x80, v3, vm0, $0xb8;
	[tilespmem:$0x1C400] =	vst v63  }
0xbe: {  	s14 =	sld [smem:$0x7FD]  }
0xbf: {  	[tilespmem:s13], [sflag:$0x1] =	stream.indirect_vreg.gather [hbm4b:s10+s3], $0x80, v3, vm0, $0xb8;
	[tilespmem:$0x1C400] =	vst v63  }
0xc0: {  	_ = 	snop  }
0xc1: {  	[tilespmem:s14], [sflag:$0x1] =	stream.indirect_vreg.gather [hbm4b:s11+s3], $0x80, v3, vm0, $0xb8;
	[tilespmem:$0x1C400] =	vst v63  }
0xc2: {  	_ =	swait.ge [sflag:s0], $0x1C000  }
0xc3: {  	p0 =	sne.s32 s12, $0x3B800;
	s14 =	rddreg [dreg:$0x4];
	[sflag:s0] =	ssyncset.done $0x0  }
.Ltmp0:
0xc4: {  	[sflag:s0] =	ssyncadd.s32 $0xFFFE4000;
	s13 =	sadd.s32 s12, s14;
	(pc) =	sbr.rel @p0 .LBB2_2-.Ltmp0, $4  }
0xc5: {  	[hbm4b:s13+s3] =	stream.linear.scatter [tilespmem:s15], [sflag:$0x2], $0x1C000, $0x38;
	[tilespmem:$0x1C400] =	vst v63  }
0xc6: {  	_ =	swait.ge [sflag:s16], $0x1C000  }
0xc7: {  	[sflag:s16] =	ssyncset.done $0x0  }
0xc8: {  	s4 =	sadd.s32 $0x38, s4;
	s12 =	sadd.s32 $0x3800, s12;
	[sflag:s16] =	ssyncadd.s32 $0xFFFE4000  }
0xc9: {  	v3 =	vld [tilespmem:$0x3F0];
	_ =	sdelay $0x4  }
0xca: {  	v4 =	vshll.u32 v3, $0x4  }
0xcb: {  	v3 =	vand.u32 $0x7, v3;
	v4 =	vand.u32 $0xFFFFFF80, v4  }
0xcc: {  	v3 =	vor.u32 v3, v4  }
0xcd: {  	v4 =	vperm.xlane v3, v0;
	_ =	sdelay $0x1  }
0xce: {  	v4 =	vadd.s32 v1, v4;
	_ =	sdelay $0x4  }
0xcf: {  	[tilespmem:s15], [sflag:$0x1] =	stream.indirect_vreg.gather [hbm4b:s2+s3], $0x80, v4, vm0, $0xb8;
	[tilespmem:$0x1C400] =	vst v63  }
0xd0: {  	_ = 	snop  }
0xd1: {  	[tilespmem:s17], [sflag:$0x1] =	stream.indirect_vreg.gather [hbm4b:s5+s3], $0x80, v4, vm0, $0xb8;
	[tilespmem:$0x1C400] =	vst v63  }
0xd2: {  	_ = 	snop  }
0xd3: {  	[tilespmem:s18], [sflag:$0x1] =	stream.indirect_vreg.gather [hbm4b:s6+s3], $0x80, v4, vm0, $0xb8;
	[tilespmem:$0x1C400] =	vst v63  }
0xd4: {  	_ = 	snop  }
0xd5: {  	[tilespmem:s19], [sflag:$0x1] =	stream.indirect_vreg.gather [hbm4b:s7+s3], $0x80, v4, vm0, $0xb8;
	[tilespmem:$0x1C400] =	vst v63  }
0xd6: {  	_ = 	snop  }
0xd7: {  	[tilespmem:s20], [sflag:$0x1] =	stream.indirect_vreg.gather [hbm4b:s8+s3], $0x80, v4, vm0, $0xb8;
	[tilespmem:$0x1C400] =	vst v63  }
0xd8: {  	v3 =	vperm.xlane v3, v2  }
0xd9: {  	[tilespmem:s21], [sflag:$0x1] =	stream.indirect_vreg.gather [hbm4b:s9+s3], $0x80, v4, vm0, $0xb8;
	[tilespmem:$0x1C400] =	vst v63  }
0xda: {  	v3 =	vadd.s32 v1, v3  }
0xdb: {  	[tilespmem:s22], [sflag:$0x1] =	stream.indirect_vreg.gather [hbm4b:s10+s3], $0x80, v4, vm0, $0xb8;
	[tilespmem:$0x1C400] =	vst v63  }
0xdc: {  	_ = 	snop  }
0xdd: {  	[tilespmem:s23], [sflag:$0x1] =	stream.indirect_vreg.gather [hbm4b:s11+s3], $0x80, v4, vm0, $0xb8;
	[tilespmem:$0x1C400] =	vst v63  }
0xde: {  	_ = 	snop  }
0xdf: {  	[tilespmem:s24], [sflag:$0x1] =	stream.indirect_vreg.gather [hbm4b:s2+s3], $0x80, v3, vm0, $0xb8;
	[tilespmem:$0x1C400] =	vst v63  }
0xe0: {  	_ = 	snop  }
0xe1: {  	[tilespmem:s25], [sflag:$0x1] =	stream.indirect_vreg.gather [hbm4b:s5+s3], $0x80, v3, vm0, $0xb8;
	[tilespmem:$0x1C400] =	vst v63  }
0xe2: {  	_ = 	snop  }
0xe3: {  	[tilespmem:s26], [sflag:$0x1] =	stream.indirect_vreg.gather [hbm4b:s6+s3], $0x80, v3, vm0, $0xb8;
	[tilespmem:$0x1C400] =	vst v63  }
0xe4: {  	_ = 	snop  }
0xe5: {  	[tilespmem:s28], [sflag:$0x1] =	stream.indirect_vreg.gather [hbm4b:s7+s3], $0x80, v3, vm0, $0xb8;
	[tilespmem:$0x1C400] =	vst v63  }
0xe6: {  	_ = 	snop  }
0xe7: {  	[tilespmem:s29], [sflag:$0x1] =	stream.indirect_vreg.gather [hbm4b:s8+s3], $0x80, v3, vm0, $0xb8;
	[tilespmem:$0x1C400] =	vst v63  }
0xe8: {  	_ = 	snop  }
0xe9: {  	[tilespmem:s30], [sflag:$0x1] =	stream.indirect_vreg.gather [hbm4b:s9+s3], $0x80, v3, vm0, $0xb8;
	[tilespmem:$0x1C400] =	vst v63  }
0xea: {  	_ = 	snop  }
0xeb: {  	[tilespmem:s31], [sflag:$0x1] =	stream.indirect_vreg.gather [hbm4b:s10+s3], $0x80, v3, vm0, $0xb8;
	[tilespmem:$0x1C400] =	vst v63  }
0xec: {  	_ = 	snop  }
0xed: {  	[tilespmem:s1], [sflag:$0x1] =	stream.indirect_vreg.gather [hbm4b:s11+s3], $0x80, v3, vm0, $0xb8;
	[tilespmem:$0x1C400] =	vst v63  }
0xee: {  	_ =	swait.ge [sflag:s0], $0x8000  }
0xef: {  	s4 =	sld [smem:$0x7F0]  }
0xf0: {  	[sflag:s0] =	ssyncset.done $0x0  }
0xf1: {  	[sflag:s0] =	ssyncadd.s32 $0xFFFF8000  }
0xf2: {  	[hbm4b:s4+s3] =	stream.linear.scatter [tilespmem:s15], [sflag:$0x2], $0x8000, $0x38;
	[tilespmem:$0x1C400] =	vst v63  }
0xf3: {  	_ =	swait.ge [sflag:s16], $0x8000  }
0xf4: {  	s12 =	sld [smem:$0x7ED]  }
0xf5: {  	s14 =	sld [smem:$0x7F2];
	_ =	sdelay $0x1  }
0xf6: {  	s12 =	sadd.s32 $0x1, s12  }
0xf7: {  	p0 =	sne.s32 s12, s14  }
.Ltmp1:
0xf8: {  	_ = 	snop;
	(pc) =	sbr.rel @p0 .LBB2_1-.Ltmp1, $3  }
0xf9: {  	_ =	sdelay $0x1  }
0xfa: {  	[sflag:s16] =	ssyncset.done $0x0  }
0xfb: {  	[sflag:s16] =	ssyncadd.s32 $0xFFFF8000  }
0xfc: {  	_ =	sfence.sel $0x180000  }
0xfd: {  	[bflag:$0x0] =	sbarrier.arrive $0xFFFF  }
0xfe: {  	_ =	strace $0x90000047  }
0xff: {  	s0 =	stileid.u32;
	[bflag:$0x2] =	sbarrier.arrive $0xFFFF  }
0x100: {  	p0 =	sne.s32 s0, $0x0;
	s0 =	rddreg [dreg:$0x3]  }
0x101: {  	s0 =	sadd.s32 @!p0 $0x100000, s0  }
0x102: {  	[sflag:s0] =	ssyncadd.tile.s32 @!p0 $0x1;
	_ =	shalt  }
.Lfunc_end2:
_tile_overlayer_lowered:
.L_overlay_start_2:
0x103: {  	(tag) =	ssettag $0x2  }
0x104: {  	s0 =	rddreg [dreg:$0x0];
	s2 =	stileid.u32  }
0x105: {  	s1 =	rddreg [dreg:$0x1];
	p0 =	sne.s32 s2, $0x0  }
0x106: {  	s3 =	rddreg [dreg:$0x2];
	[bflag:$0x3] =	sbarrier.arrive $0xFFFF;
	s2 =	simm.s32 @!p0 $0x1C02  }
0x107: {  	[timem:s3], [sflag:s2] =	dma.local @!p0 [hbm:s0], s1  }
0x108: {  	s0 =	simm.s32 @!p0 $0x2  }
0x109: {  	_ =	swait.ge @!p0 [sflag:s0], s1  }
0x10a: {  	s1 =	ssub.s32 @!p0 $0x0, s1;
	[sflag:s0] =	ssyncset.done @!p0 $0x0  }
0x10b: {  	[sflag:s0] =	ssyncadd.s32 @!p0 s1  }
0x10c: {  	[bflag:$0x3] =	sbarrier.arrive $0xFFFF  }
0x10d: {  	_ =	shalt  }

</sc_bundles>
